<compile_context>
chip_gen: v7x
topology: tpu7x:2x2x1
jax: 0.10.2.dev20260603
libtpu: 0.0.44.dev20260713+nightly
codegen_flags: <defaults>
</compile_context>

<pallas_src>
import dataclasses
import functools

import jax
import jax.numpy as jnp
from jax import lax
from jax.experimental import pallas as pl
from jax.experimental.pallas import tpu as pltpu
from jax.experimental.pallas import tpu_sc as plsc

N_NODES = 10000
D = 128
E_EDGES = 320000

NC, NS = 2, 16
NW = NC * NS
K = 56
CH0 = 200
CH1 = 160
CH = (CH0 + CH1) // 2
GB = 4
SB = 2
ED = 8
U = 8
E_PAD = NW * CH * K
WPT = 632
WPT_LAST = N_NODES - 15 * WPT
N_DEG = 10240
DEG_PER_TILE = N_DEG // NS

_sc_mesh = plsc.VectorSubcoreMesh(core_axis_name="c", subcore_axis_name="s")

_sc_params = pltpu.CompilerParams()
if "needs_layout_passes" in pltpu.CompilerParams.__dataclass_fields__:
    _sc_params = dataclasses.replace(_sc_params, needs_layout_passes=False)



def _deg_body(dst_hbm, w_hbm, zd_hbm, out_hbm, dst_v, w_v, deg_sh, sem):
    c = lax.axis_index("c")
    s = lax.axis_index("s")
    z0 = s * DEG_PER_TILE
    pltpu.async_copy(zd_hbm.at[pl.ds(z0, DEG_PER_TILE)],
                     deg_sh.at[pl.ds(z0, DEG_PER_TILE)], sem).wait()
    chc = jnp.where(c == 0, CH0, CH1)
    row0 = c * NS * CH0 + s * chc

    @pl.when(c == 0)
    def _():
        pltpu.sync_copy(dst_hbm.at[pl.ds(row0, CH0)], dst_v.at[pl.ds(0, CH0)])
        pltpu.sync_copy(w_hbm.at[pl.ds(row0, CH0)], w_v.at[pl.ds(0, CH0)])

    @pl.when(c == 1)
    def _():
        pltpu.sync_copy(dst_hbm.at[pl.ds(row0, CH1)], dst_v.at[pl.ds(0, CH1)])
        pltpu.sync_copy(w_hbm.at[pl.ds(row0, CH1)], w_v.at[pl.ds(0, CH1)])

    plsc.subcore_barrier()

    @pl.loop(0, chc)
    def _(j):
        pltpu.sync_copy(w_v.at[j], deg_sh.at[dst_v.at[j]], add=True)

    plsc.subcore_barrier()
    pltpu.async_copy(deg_sh.at[pl.ds(z0, DEG_PER_TILE)],
                     out_hbm.at[c].at[pl.ds(z0, DEG_PER_TILE)], sem).wait()


@jax.jit
def _sc_degree(dst2d, w2d, zd):
    return pl.kernel(
        _deg_body,
        out_type=jax.ShapeDtypeStruct((NC, N_DEG), jnp.float32),
        mesh=_sc_mesh,
        scratch_types=[
            pltpu.VMEM((CH0, K), jnp.int32),
            pltpu.VMEM((CH0, K), jnp.float32),
            pltpu.VMEM_SHARED((N_DEG,), jnp.float32),
            pltpu.SemaphoreType.DMA,
        ],
    )(dst2d, w2d, zd)


def _load_erow(src_hbm, dst_hbm, w_hbm, src_v, dst_v, w_v, row0, j, q, sem):
    pltpu.async_copy(src_hbm.at[pl.ds(row0 + j, 1)],
                     src_v.at[pl.ds(q, 1)], sem)
    pltpu.async_copy(dst_hbm.at[pl.ds(row0 + j, 1)],
                     dst_v.at[pl.ds(q, 1)], sem)
    pltpu.async_copy(w_hbm.at[pl.ds(row0 + j, 1)],
                     w_v.at[pl.ds(q, 1)], sem)


def _wait_erow(src_hbm, dst_hbm, w_hbm, src_v, dst_v, w_v, row0, q, sem):
    pltpu.make_async_copy(src_hbm.at[pl.ds(row0, 1)],
                          src_v.at[pl.ds(q, 1)], sem).wait()
    pltpu.make_async_copy(dst_hbm.at[pl.ds(row0, 1)],
                          dst_v.at[pl.ds(q, 1)], sem).wait()
    pltpu.make_async_copy(w_hbm.at[pl.ds(row0, 1)],
                          w_v.at[pl.ds(q, 1)], sem).wait()


def _agg_body(g_hbm, src_hbm, dst_hbm, w_hbm, zeros_hbm, out_hbm,
              src_v, dst_v, w_v, gbuf, sbuf, acc_sh, *sems):
    gsems = sems[0:GB]
    ssems = sems[GB:GB + SB]
    esems = sems[GB + SB:GB + SB + ED]
    msem = sems[GB + SB + ED]
    c = lax.axis_index("c")
    s = lax.axis_index("s")
    z0 = s * WPT

    @pl.when(s < NS - 1)
    def _():
        pltpu.async_copy(zeros_hbm.at[pl.ds(z0, WPT)],
                         acc_sh.at[pl.ds(z0, WPT)], msem)

    @pl.when(s == NS - 1)
    def _():
        pltpu.async_copy(zeros_hbm.at[pl.ds(z0, WPT_LAST)],
                         acc_sh.at[pl.ds(z0, WPT_LAST)], msem)

    chc = jnp.where(c == 0, CH0, CH1)
    row0 = c * NS * CH0 + s * chc
    pltpu.sync_copy(src_hbm.at[pl.ds(row0, GB)], src_v.at[pl.ds(0, GB)])
    pltpu.sync_copy(dst_hbm.at[pl.ds(row0, GB)], dst_v.at[pl.ds(0, GB)])
    pltpu.sync_copy(w_hbm.at[pl.ds(row0, GB)], w_v.at[pl.ds(0, GB)])
    for t in (GB, GB + 1):
        _load_erow(src_hbm, dst_hbm, w_hbm, src_v, dst_v, w_v,
                   row0, t, t % ED, esems[t % ED])

    @pl.when(s < NS - 1)
    def _():
        pltpu.make_async_copy(zeros_hbm.at[pl.ds(z0, WPT)],
                              acc_sh.at[pl.ds(z0, WPT)], msem).wait()

    @pl.when(s == NS - 1)
    def _():
        pltpu.make_async_copy(zeros_hbm.at[pl.ds(z0, WPT_LAST)],
                              acc_sh.at[pl.ds(z0, WPT_LAST)], msem).wait()

    plsc.subcore_barrier()

    for b in range(GB):
        pltpu.async_copy(g_hbm.at[src_v.at[b]], gbuf.at[b], gsems[b])

    @pl.loop(0, chc // U)
    def _(jj):
        for t in range(U):
            j = jj * U + t
            gb = t % GB
            sb = t % SB
            ql = (t + GB + 2) % ED
            qg = (t + GB) % ED
            pltpu.make_async_copy(g_hbm.at[src_v.at[t % ED]], gbuf.at[gb],
                                  gsems[gb]).wait()

            @pl.when(j >= SB)
            def _():
                pltpu.make_async_copy(sbuf.at[sb],
                                      acc_sh.at[dst_v.at[t % ED]],
                                      ssems[sb]).wait()

            @pl.when(j + GB + 2 < chc)
            def _():
                _load_erow(src_hbm, dst_hbm, w_hbm, src_v, dst_v, w_v,
                           row0, j + GB + 2, ql, esems[ql])

            @pl.loop(0, K)
            def _(i):
                wspl = plsc.load_gather(w_v.at[t % ED],
                                        [jnp.full((16,), i, jnp.int32)])
                for cb in range(D // 16):
                    sl = (i, pl.ds(cb * 16, 16))
                    sbuf.at[sb][sl] = gbuf.at[gb][sl] * wspl

            @pl.when(j + GB < chc)
            def _():
                _wait_erow(src_hbm, dst_hbm, w_hbm, src_v, dst_v, w_v,
                           row0, qg, esems[qg])
                pltpu.async_copy(g_hbm.at[src_v.at[qg]], gbuf.at[gb],
                                 gsems[gb])

            pltpu.async_copy(sbuf.at[sb], acc_sh.at[dst_v.at[t % ED]],
                             ssems[sb], add=True)

    for r in range(SB):
        pltpu.make_async_copy(sbuf.at[r], acc_sh.at[dst_v.at[r]],
                              ssems[r]).wait()
    plsc.subcore_barrier()

    @pl.when(s < NS - 1)
    def _():
        pltpu.async_copy(acc_sh.at[pl.ds(z0, WPT)],
                         out_hbm.at[c].at[pl.ds(z0, WPT)], msem).wait()

    @pl.when(s == NS - 1)
    def _():
        pltpu.async_copy(acc_sh.at[pl.ds(z0, WPT_LAST)],
                         out_hbm.at[c].at[pl.ds(z0, WPT_LAST)], msem).wait()


@jax.jit
def _sc_aggregate(g, src2d, dst2d, w2d, zeros):
    return pl.kernel(
        _agg_body,
        out_type=jax.ShapeDtypeStruct((NC, N_NODES, D), jnp.float32),
        mesh=_sc_mesh,
        scratch_types=[
            pltpu.VMEM((ED, K), jnp.int32),
            pltpu.VMEM((ED, K), jnp.int32),
            pltpu.VMEM((ED, K), jnp.float32),
            pltpu.VMEM((GB, K, D), jnp.float32),
            pltpu.VMEM((SB, K, D), jnp.float32),
            pltpu.VMEM_SHARED((N_NODES, D), jnp.float32),
        ] + [pltpu.SemaphoreType.DMA] * (GB + SB + ED + 1),
        compiler_params=_sc_params,
    )(g, src2d, dst2d, w2d, zeros)



_BLK = 2000


def _mm_body(x_ref, w_ref, o_ref):
    o_ref[...] = jnp.dot(x_ref[...], w_ref[...],
                         preferred_element_type=jnp.float32)


def _matmul(x, w):
    return pl.pallas_call(
        _mm_body,
        grid=(N_NODES // _BLK,),
        in_specs=[pl.BlockSpec((_BLK, D), lambda i: (i, 0)),
                  pl.BlockSpec((D, D), lambda i: (0, 0))],
        out_specs=pl.BlockSpec((_BLK, D), lambda i: (i, 0)),
        out_shape=jax.ShapeDtypeStruct((N_NODES, D), jnp.float32),
    )(x, w)


def _prep_body(deg_ref, h_ref, dis_ref, g_ref):
    d = deg_ref[:, 0:1] + deg_ref[:, 1:2] + 1.0
    di = lax.rsqrt(d)
    dis_ref[...] = di
    g_ref[...] = di * h_ref[...]


def _tc_prep(deg01, h):
    return pl.pallas_call(
        _prep_body,
        grid=(N_NODES // _BLK,),
        in_specs=[pl.BlockSpec((_BLK, NC), lambda i: (i, 0)),
                  pl.BlockSpec((_BLK, D), lambda i: (i, 0))],
        out_specs=[pl.BlockSpec((_BLK, 1), lambda i: (i, 0)),
                   pl.BlockSpec((_BLK, D), lambda i: (i, 0))],
        out_shape=[jax.ShapeDtypeStruct((N_NODES, 1), jnp.float32),
                   jax.ShapeDtypeStruct((N_NODES, D), jnp.float32)],
    )(deg01, h)


def _mid_body(acc_ref, g_ref, dis_ref, b_ref, w_ref, g2_ref):
    di = dis_ref[...]
    a = acc_ref[0] + acc_ref[1] + g_ref[...]
    h1 = jnp.maximum(di * a + b_ref[...], 0.0)
    g2_ref[...] = di * jnp.dot(h1, w_ref[...],
                               preferred_element_type=jnp.float32)


def _tc_mid(acc_p, g, dis, b1, W2):
    return pl.pallas_call(
        _mid_body,
        grid=(N_NODES // _BLK,),
        in_specs=[pl.BlockSpec((NC, _BLK, D), lambda i: (0, i, 0)),
                  pl.BlockSpec((_BLK, D), lambda i: (i, 0)),
                  pl.BlockSpec((_BLK, 1), lambda i: (i, 0)),
                  pl.BlockSpec((1, D), lambda i: (0, 0)),
                  pl.BlockSpec((D, D), lambda i: (0, 0))],
        out_specs=pl.BlockSpec((_BLK, D), lambda i: (i, 0)),
        out_shape=jax.ShapeDtypeStruct((N_NODES, D), jnp.float32),
    )(acc_p, g, dis, b1.reshape(1, D), W2)


def _final_body(acc_ref, g_ref, dis_ref, b_ref, o_ref):
    di = dis_ref[...]
    a = acc_ref[0] + acc_ref[1] + g_ref[...]
    o_ref[...] = di * a + b_ref[...]


def _tc_final(acc_p, g2, dis, b2):
    return pl.pallas_call(
        _final_body,
        grid=(N_NODES // _BLK,),
        in_specs=[pl.BlockSpec((NC, _BLK, D), lambda i: (0, i, 0)),
                  pl.BlockSpec((_BLK, D), lambda i: (i, 0)),
                  pl.BlockSpec((_BLK, 1), lambda i: (i, 0)),
                  pl.BlockSpec((1, D), lambda i: (0, 0))],
        out_specs=pl.BlockSpec((_BLK, D), lambda i: (i, 0)),
        out_shape=jax.ShapeDtypeStruct((N_NODES, D), jnp.float32),
    )(acc_p, g2, dis, b2.reshape(1, D))



def kernel(x, edge_index, edge_attr, W1, b1, W2, b2):
    src = edge_index[0]
    dst = edge_index[1]
    pad = E_PAD - E_EDGES
    src2d = jnp.concatenate(
        [src, jnp.zeros((pad,), jnp.int32)]).reshape(NW * CH, K)
    dst2d = jnp.concatenate(
        [dst, jnp.zeros((pad,), jnp.int32)]).reshape(NW * CH, K)
    w2d = jnp.concatenate(
        [edge_attr, jnp.zeros((pad,), jnp.float32)]).reshape(NW * CH, K)
    zeros = jnp.zeros((N_NODES, D), jnp.float32)
    zd = jnp.zeros((N_DEG,), jnp.float32)

    deg01 = _sc_degree(dst2d, w2d, zd)[:, :N_NODES].T
    h = _matmul(x, W1)
    dis, g1 = _tc_prep(deg01, h)

    acc1 = _sc_aggregate(g1, src2d, dst2d, w2d, zeros)
    g2 = _tc_mid(acc1, g1, dis, b1, W2)
    acc2 = _sc_aggregate(g2, src2d, dst2d, w2d, zeros)
    return _tc_final(acc2, g2, dis, b2)

# --- scband reference (transcript-rebuilt; emitter-appended) ---
"""Pipeline reference for scband-gnn-14388140442154 (READ-ONLY COPY).

The authoritative reference and input builder live on the scoring server;
editing this copy changes nothing except your own understanding.
"""

import jax, jax.numpy as jnp
import numpy as np

N, E, D_IN, D_HID, D_OUT = 10000, 320000, 128, 128, 128


def setup_inputs(seed: int = 0) -> dict:
    key = jax.random.key(seed)
    ks = jax.random.split(key, 8)
    x = jax.random.normal(ks[0], (N, D_IN), dtype=jnp.float32)
    edge_index = jax.random.randint(ks[1], (2, E), 0, N, dtype=jnp.int32)
    edge_attr = jax.random.uniform(ks[2], (E,), dtype=jnp.float32)
    W1 = jax.random.normal(ks[3], (D_IN, D_HID), dtype=jnp.float32) * (1.0 / np.sqrt(D_IN))
    b1 = jnp.zeros((D_HID,), dtype=jnp.float32)
    W2 = jax.random.normal(ks[4], (D_HID, D_OUT), dtype=jnp.float32) * (1.0 / np.sqrt(D_HID))
    b2 = jnp.zeros((D_OUT,), dtype=jnp.float32)
    return {"x": x, "edge_index": edge_index, "edge_attr": edge_attr,
            "W1": W1, "b1": b1, "W2": W2, "b2": b2}


def _gcn_layer(x, src, dst, ew, W, b, n_nodes):
    # GCNConv with add_self_loops=True and symmetric normalization.
    loop = jnp.arange(n_nodes, dtype=src.dtype)
    src_f = jnp.concatenate([src, loop])
    dst_f = jnp.concatenate([dst, loop])
    w_f = jnp.concatenate([ew, jnp.ones((n_nodes,), dtype=ew.dtype)])
    deg = jax.ops.segment_sum(w_f, dst_f, num_segments=n_nodes)
    dis = jnp.where(deg > 0, jax.lax.rsqrt(jnp.where(deg > 0, deg, 1.0)), 0.0)
    norm = dis[src_f] * w_f * dis[dst_f]
    h = x @ W
    msg = h[src_f] * norm[:, None]
    out = jax.ops.segment_sum(msg, dst_f, num_segments=n_nodes)
    return out + b


def reference(x, edge_index, edge_attr, W1, b1, W2, b2):
    src, dst = edge_index[0], edge_index[1]
    h = jax.nn.relu(_gcn_layer(x, src, dst, edge_attr, W1, b1, N))
    # dropout is inference no-op (training=False)
    out = _gcn_layer(h, src, dst, edge_attr, W2, b2, N)
    return out

if __name__ == "__main__":
    import jax
    _d = setup_inputs()
    print(jax.jit(kernel)(*tuple(_d.values())))

</pallas_src>

<mosaic_0001>
#map = affine_map<(d0, d1) -> (0, 0)>
#map1 = affine_map<(d0, d1) -> (0)>
module attributes {stable_mosaic.version = 14 : i64} {
  func.func @_deg_body(%arg0: i32, %arg1: i32, %arg2: memref<5760x56xi32, #tpu.memory_space<hbm>>, %arg3: memref<5760x56xf32, #tpu.memory_space<hbm>>, %arg4: memref<10240xf32, #tpu.memory_space<hbm>>, %arg5: memref<2x10240xf32, #tpu.memory_space<hbm>>, %arg6: memref<200x56xi32, #tpu.memory_space<vmem>>, %arg7: memref<200x56xf32, #tpu.memory_space<vmem>>, %arg8: memref<10240xf32, #tpu.memory_space<vmem_shared>>, %arg9: memref<!tpu.dma_semaphore, #tpu.memory_space<semaphore_mem>>) attributes {dimension_semantics = [#tpu.dimension_semantics<core_parallel>, #tpu.dimension_semantics<subcore_parallel>], iteration_bounds = array<i64: 2, 16>, scalar_prefetch = 0 : i64, scratch_operands = 4 : i64, tpu.core_type = #tpu.core_type<sc_vector_subcore>, window_params = [{transform_indices = #map}, {transform_indices = #map}, {transform_indices = #map1}, {transform_indices = #map}]} {
    %mul3A = arith.constant 640 : i32
    %mul3A_0 = arith.muli %arg1, %mul3A : i32
    %dma_start3A = tpu.memref_slice %arg8[%mul3A_0] : memref<10240xf32, #tpu.memory_space<vmem_shared>> -> memref<640xf32, #tpu.memory_space<vmem_shared>>
    %dma_start3A_1 = tpu.memref_slice %arg4[%mul3A_0] : memref<10240xf32, #tpu.memory_space<hbm>> -> memref<640xf32, #tpu.memory_space<hbm>>
    tpu.enqueue_dma source(%dma_start3A_1 : memref<640xf32, #tpu.memory_space<hbm>>) target(%dma_start3A : memref<640xf32, #tpu.memory_space<vmem_shared>>) target_semaphore(%arg9 : memref<!tpu.dma_semaphore, #tpu.memory_space<semaphore_mem>>)
    %dma_wait3A = tpu.memref_slice %arg8[%mul3A_0] : memref<10240xf32, #tpu.memory_space<vmem_shared>> -> memref<640xf32, #tpu.memory_space<vmem_shared>>
    %dma_wait3A_2 = tpu.memref_slice %arg4[%mul3A_0] : memref<10240xf32, #tpu.memory_space<hbm>> -> memref<640xf32, #tpu.memory_space<hbm>>
    tpu.wait_dma2 semaphore(%arg9 : memref<!tpu.dma_semaphore, #tpu.memory_space<semaphore_mem>>) src(%dma_wait3A_2 : memref<640xf32, #tpu.memory_space<hbm>>) dst(%dma_wait3A : memref<640xf32, #tpu.memory_space<vmem_shared>>)
    %eq3A = arith.constant 0 : i32
    %eq3A_3 = arith.cmpi eq, %arg0, %eq3A : i32
    %jit3A = arith.constant 200 : i32
    %jit3A_4 = arith.constant 160 : i32
    %select_n3A = arith.select %eq3A_3, %jit3A, %jit3A_4 : i32
    %mul3A_5 = arith.constant 16 : i32
    %mul3A_6 = arith.muli %arg0, %mul3A_5 : i32
    %mul3A_7 = arith.constant 200 : i32
    %mul3A_8 = arith.muli %mul3A_6, %mul3A_7 : i32
    %mul3A_9 = arith.muli %arg1, %select_n3A : i32
    %add3A = arith.addi %mul3A_8, %mul3A_9 : i32
    %eq3A_10 = arith.constant 0 : i32
    %eq3A_11 = arith.cmpi eq, %arg0, %eq3A_10 : i32
    %convert_element_type3A = arith.extui %eq3A_11 : i1 to i32
    %cond3A = arith.constant 0 : i32
    %cond3A_12 = arith.cmpi ne, %convert_element_type3A, %cond3A : i32
    scf.if %cond3A_12 {
      "tpu.region"() ({
        %run_scoped3A = tpu.sem_alloc : memref<!tpu.dma_semaphore, #tpu.memory_space<semaphore_mem>>
        %dma_start3A_45 = arith.constant 0 : i32
        %dma_start3A_46 = arith.constant 0 : i32
        %dma_start3A_47 = tpu.memref_slice %arg6[%dma_start3A_45, %dma_start3A_46] : memref<200x56xi32, #tpu.memory_space<vmem>> -> memref<200x56xi32, #tpu.memory_space<vmem>>
        %dma_start3A_48 = arith.constant 0 : i32
        %dma_start3A_49 = tpu.memref_slice %arg2[%add3A, %dma_start3A_48] : memref<5760x56xi32, #tpu.memory_space<hbm>> -> memref<200x56xi32, #tpu.memory_space<hbm>>
        %dma_start3A_50 = arith.constant 0 : i32
        %dma_start3A_51 = arith.constant 0 : i32
        %dma_start3A_52 = tpu.memref_slice %arg6[%dma_start3A_50, %dma_start3A_51] : memref<200x56xi32, #tpu.memory_space<vmem>> -> memref<200x56xi32, #tpu.memory_space<vmem>>
        %dma_start3A_53 = arith.constant 0 : i32
        %dma_start3A_54 = tpu.memref_slice %arg2[%add3A, %dma_start3A_53] : memref<5760x56xi32, #tpu.memory_space<hbm>> -> memref<200x56xi32, #tpu.memory_space<hbm>>
        tpu.enqueue_dma source(%dma_start3A_54 : memref<200x56xi32, #tpu.memory_space<hbm>>) target(%dma_start3A_52 : memref<200x56xi32, #tpu.memory_space<vmem>>) target_semaphore(%run_scoped3A : memref<!tpu.dma_semaphore, #tpu.memory_space<semaphore_mem>>)
        %dma_wait3A_55 = arith.constant 0 : i32
        %dma_wait3A_56 = arith.constant 0 : i32
        %dma_wait3A_57 = tpu.memref_slice %arg6[%dma_wait3A_55, %dma_wait3A_56] : memref<200x56xi32, #tpu.memory_space<vmem>> -> memref<200x56xi32, #tpu.memory_space<vmem>>
        %dma_wait3A_58 = arith.constant 0 : i32
        %dma_wait3A_59 = tpu.memref_slice %arg2[%add3A, %dma_wait3A_58] : memref<5760x56xi32, #tpu.memory_space<hbm>> -> memref<200x56xi32, #tpu.memory_space<hbm>>
        %dma_wait3A_60 = arith.constant 0 : i32
        %dma_wait3A_61 = arith.constant 0 : i32
        %dma_wait3A_62 = tpu.memref_slice %arg6[%dma_wait3A_60, %dma_wait3A_61] : memref<200x56xi32, #tpu.memory_space<vmem>> -> memref<200x56xi32, #tpu.memory_space<vmem>>
        %dma_wait3A_63 = arith.constant 0 : i32
        %dma_wait3A_64 = tpu.memref_slice %arg2[%add3A, %dma_wait3A_63] : memref<5760x56xi32, #tpu.memory_space<hbm>> -> memref<200x56xi32, #tpu.memory_space<hbm>>
        tpu.wait_dma2 semaphore(%run_scoped3A : memref<!tpu.dma_semaphore, #tpu.memory_space<semaphore_mem>>) src(%dma_wait3A_64 : memref<200x56xi32, #tpu.memory_space<hbm>>) dst(%dma_wait3A_62 : memref<200x56xi32, #tpu.memory_space<vmem>>)
        tpu.yield
      }) : () -> ()
      "tpu.region"() ({
        %run_scoped3A = tpu.sem_alloc : memref<!tpu.dma_semaphore, #tpu.memory_space<semaphore_mem>>
        %dma_start3A_45 = arith.constant 0 : i32
        %dma_start3A_46 = arith.constant 0 : i32
        %dma_start3A_47 = tpu.memref_slice %arg7[%dma_start3A_45, %dma_start3A_46] : memref<200x56xf32, #tpu.memory_space<vmem>> -> memref<200x56xf32, #tpu.memory_space<vmem>>
        %dma_start3A_48 = arith.constant 0 : i32
        %dma_start3A_49 = tpu.memref_slice %arg3[%add3A, %dma_start3A_48] : memref<5760x56xf32, #tpu.memory_space<hbm>> -> memref<200x56xf32, #tpu.memory_space<hbm>>
        %dma_start3A_50 = arith.constant 0 : i32
        %dma_start3A_51 = arith.constant 0 : i32
        %dma_start3A_52 = tpu.memref_slice %arg7[%dma_start3A_50, %dma_start3A_51] : memref<200x56xf32, #tpu.memory_space<vmem>> -> memref<200x56xf32, #tpu.memory_space<vmem>>
        %dma_start3A_53 = arith.constant 0 : i32
        %dma_start3A_54 = tpu.memref_slice %arg3[%add3A, %dma_start3A_53] : memref<5760x56xf32, #tpu.memory_space<hbm>> -> memref<200x56xf32, #tpu.memory_space<hbm>>
        tpu.enqueue_dma source(%dma_start3A_54 : memref<200x56xf32, #tpu.memory_space<hbm>>) target(%dma_start3A_52 : memref<200x56xf32, #tpu.memory_space<vmem>>) target_semaphore(%run_scoped3A : memref<!tpu.dma_semaphore, #tpu.memory_space<semaphore_mem>>)
        %dma_wait3A_55 = arith.constant 0 : i32
        %dma_wait3A_56 = arith.constant 0 : i32
        %dma_wait3A_57 = tpu.memref_slice %arg7[%dma_wait3A_55, %dma_wait3A_56] : memref<200x56xf32, #tpu.memory_space<vmem>> -> memref<200x56xf32, #tpu.memory_space<vmem>>
        %dma_wait3A_58 = arith.constant 0 : i32
        %dma_wait3A_59 = tpu.memref_slice %arg3[%add3A, %dma_wait3A_58] : memref<5760x56xf32, #tpu.memory_space<hbm>> -> memref<200x56xf32, #tpu.memory_space<hbm>>
        %dma_wait3A_60 = arith.constant 0 : i32
        %dma_wait3A_61 = arith.constant 0 : i32
        %dma_wait3A_62 = tpu.memref_slice %arg7[%dma_wait3A_60, %dma_wait3A_61] : memref<200x56xf32, #tpu.memory_space<vmem>> -> memref<200x56xf32, #tpu.memory_space<vmem>>
        %dma_wait3A_63 = arith.constant 0 : i32
        %dma_wait3A_64 = tpu.memref_slice %arg3[%add3A, %dma_wait3A_63] : memref<5760x56xf32, #tpu.memory_space<hbm>> -> memref<200x56xf32, #tpu.memory_space<hbm>>
        tpu.wait_dma2 semaphore(%run_scoped3A : memref<!tpu.dma_semaphore, #tpu.memory_space<semaphore_mem>>) src(%dma_wait3A_64 : memref<200x56xf32, #tpu.memory_space<hbm>>) dst(%dma_wait3A_62 : memref<200x56xf32, #tpu.memory_space<vmem>>)
        tpu.yield
      }) : () -> ()
    } else {
    }
    %eq3A_13 = arith.constant 1 : i32
    %eq3A_14 = arith.cmpi eq, %arg0, %eq3A_13 : i32
    %convert_element_type3A_15 = arith.extui %eq3A_14 : i1 to i32
    %cond3A_16 = arith.constant 0 : i32
    %cond3A_17 = arith.cmpi ne, %convert_element_type3A_15, %cond3A_16 : i32
    scf.if %cond3A_17 {
      "tpu.region"() ({
        %run_scoped3A = tpu.sem_alloc : memref<!tpu.dma_semaphore, #tpu.memory_space<semaphore_mem>>
        %dma_start3A_45 = arith.constant 0 : i32
        %dma_start3A_46 = arith.constant 0 : i32
        %dma_start3A_47 = tpu.memref_slice %arg6[%dma_start3A_45, %dma_start3A_46] : memref<200x56xi32, #tpu.memory_space<vmem>> -> memref<160x56xi32, #tpu.memory_space<vmem>>
        %dma_start3A_48 = arith.constant 0 : i32
        %dma_start3A_49 = tpu.memref_slice %arg2[%add3A, %dma_start3A_48] : memref<5760x56xi32, #tpu.memory_space<hbm>> -> memref<160x56xi32, #tpu.memory_space<hbm>>
        %dma_start3A_50 = arith.constant 0 : i32
        %dma_start3A_51 = arith.constant 0 : i32
        %dma_start3A_52 = tpu.memref_slice %arg6[%dma_start3A_50, %dma_start3A_51] : memref<200x56xi32, #tpu.memory_space<vmem>> -> memref<160x56xi32, #tpu.memory_space<vmem>>
        %dma_start3A_53 = arith.constant 0 : i32
        %dma_start3A_54 = tpu.memref_slice %arg2[%add3A, %dma_start3A_53] : memref<5760x56xi32, #tpu.memory_space<hbm>> -> memref<160x56xi32, #tpu.memory_space<hbm>>
        tpu.enqueue_dma source(%dma_start3A_54 : memref<160x56xi32, #tpu.memory_space<hbm>>) target(%dma_start3A_52 : memref<160x56xi32, #tpu.memory_space<vmem>>) target_semaphore(%run_scoped3A : memref<!tpu.dma_semaphore, #tpu.memory_space<semaphore_mem>>)
        %dma_wait3A_55 = arith.constant 0 : i32
        %dma_wait3A_56 = arith.constant 0 : i32
        %dma_wait3A_57 = tpu.memref_slice %arg6[%dma_wait3A_55, %dma_wait3A_56] : memref<200x56xi32, #tpu.memory_space<vmem>> -> memref<160x56xi32, #tpu.memory_space<vmem>>
        %dma_wait3A_58 = arith.constant 0 : i32
        %dma_wait3A_59 = tpu.memref_slice %arg2[%add3A, %dma_wait3A_58] : memref<5760x56xi32, #tpu.memory_space<hbm>> -> memref<160x56xi32, #tpu.memory_space<hbm>>
        %dma_wait3A_60 = arith.constant 0 : i32
        %dma_wait3A_61 = arith.constant 0 : i32
        %dma_wait3A_62 = tpu.memref_slice %arg6[%dma_wait3A_60, %dma_wait3A_61] : memref<200x56xi32, #tpu.memory_space<vmem>> -> memref<160x56xi32, #tpu.memory_space<vmem>>
        %dma_wait3A_63 = arith.constant 0 : i32
        %dma_wait3A_64 = tpu.memref_slice %arg2[%add3A, %dma_wait3A_63] : memref<5760x56xi32, #tpu.memory_space<hbm>> -> memref<160x56xi32, #tpu.memory_space<hbm>>
        tpu.wait_dma2 semaphore(%run_scoped3A : memref<!tpu.dma_semaphore, #tpu.memory_space<semaphore_mem>>) src(%dma_wait3A_64 : memref<160x56xi32, #tpu.memory_space<hbm>>) dst(%dma_wait3A_62 : memref<160x56xi32, #tpu.memory_space<vmem>>)
        tpu.yield
      }) : () -> ()
      "tpu.region"() ({
        %run_scoped3A = tpu.sem_alloc : memref<!tpu.dma_semaphore, #tpu.memory_space<semaphore_mem>>
        %dma_start3A_45 = arith.constant 0 : i32
        %dma_start3A_46 = arith.constant 0 : i32
        %dma_start3A_47 = tpu.memref_slice %arg7[%dma_start3A_45, %dma_start3A_46] : memref<200x56xf32, #tpu.memory_space<vmem>> -> memref<160x56xf32, #tpu.memory_space<vmem>>
        %dma_start3A_48 = arith.constant 0 : i32
        %dma_start3A_49 = tpu.memref_slice %arg3[%add3A, %dma_start3A_48] : memref<5760x56xf32, #tpu.memory_space<hbm>> -> memref<160x56xf32, #tpu.memory_space<hbm>>
        %dma_start3A_50 = arith.constant 0 : i32
        %dma_start3A_51 = arith.constant 0 : i32
        %dma_start3A_52 = tpu.memref_slice %arg7[%dma_start3A_50, %dma_start3A_51] : memref<200x56xf32, #tpu.memory_space<vmem>> -> memref<160x56xf32, #tpu.memory_space<vmem>>
        %dma_start3A_53 = arith.constant 0 : i32
        %dma_start3A_54 = tpu.memref_slice %arg3[%add3A, %dma_start3A_53] : memref<5760x56xf32, #tpu.memory_space<hbm>> -> memref<160x56xf32, #tpu.memory_space<hbm>>
        tpu.enqueue_dma source(%dma_start3A_54 : memref<160x56xf32, #tpu.memory_space<hbm>>) target(%dma_start3A_52 : memref<160x56xf32, #tpu.memory_space<vmem>>) target_semaphore(%run_scoped3A : memref<!tpu.dma_semaphore, #tpu.memory_space<semaphore_mem>>)
        %dma_wait3A_55 = arith.constant 0 : i32
        %dma_wait3A_56 = arith.constant 0 : i32
        %dma_wait3A_57 = tpu.memref_slice %arg7[%dma_wait3A_55, %dma_wait3A_56] : memref<200x56xf32, #tpu.memory_space<vmem>> -> memref<160x56xf32, #tpu.memory_space<vmem>>
        %dma_wait3A_58 = arith.constant 0 : i32
        %dma_wait3A_59 = tpu.memref_slice %arg3[%add3A, %dma_wait3A_58] : memref<5760x56xf32, #tpu.memory_space<hbm>> -> memref<160x56xf32, #tpu.memory_space<hbm>>
        %dma_wait3A_60 = arith.constant 0 : i32
        %dma_wait3A_61 = arith.constant 0 : i32
        %dma_wait3A_62 = tpu.memref_slice %arg7[%dma_wait3A_60, %dma_wait3A_61] : memref<200x56xf32, #tpu.memory_space<vmem>> -> memref<160x56xf32, #tpu.memory_space<vmem>>
        %dma_wait3A_63 = arith.constant 0 : i32
        %dma_wait3A_64 = tpu.memref_slice %arg3[%add3A, %dma_wait3A_63] : memref<5760x56xf32, #tpu.memory_space<hbm>> -> memref<160x56xf32, #tpu.memory_space<hbm>>
        tpu.wait_dma2 semaphore(%run_scoped3A : memref<!tpu.dma_semaphore, #tpu.memory_space<semaphore_mem>>) src(%dma_wait3A_64 : memref<160x56xf32, #tpu.memory_space<hbm>>) dst(%dma_wait3A_62 : memref<160x56xf32, #tpu.memory_space<vmem>>)
        tpu.yield
      }) : () -> ()
    } else {
    }
    %barrier3A = arith.constant 0 : index
    tpu.barrier barrier_id(%barrier3A)
    %sub3A = arith.constant 0 : i32
    %sub3A_18 = arith.subi %select_n3A, %sub3A : i32
    %sub3A_19 = arith.constant 1 : i32
    %sub3A_20 = arith.constant 1 : i32
    %sub3A_21 = arith.subi %sub3A_19, %sub3A_20 : i32
    %add3A_22 = arith.addi %sub3A_18, %sub3A_21 : i32
    %div3A = arith.constant 1 : i32
    %div3A_23 = arith.divsi %add3A_22, %div3A : i32
    %while3A = arith.constant 1 : i32
    %while3A_24 = arith.constant 0 : i32
    %while3A_25 = arith.constant 0 : i32
    %while3A_26 = arith.subi %div3A_23, %while3A_25 : i32
    %while3A_27 = arith.addi %while3A_25, %while3A_26 : i32
    %while3A_28 = arith.constant 1 : i32
    %while3A_29 = arith.divsi %while3A_26, %while3A_28 : i32
    %while3A_30 = arith.muli %while3A_29, %while3A_28 : i32
    %while3A_31 = arith.addi %while3A_25, %while3A_30 : i32
    %while3A_32 = arith.constant 1 : i32
    scf.for %while3A_45 = %while3A_25 to %while3A_31 step %while3A_32  : i32 {
      %mul3A_46 = arith.muli %while3A_45, %while3A : i32
      %add3A_47 = arith.addi %while3A_24, %mul3A_46 : i32
      "tpu.region"() ({
        %run_scoped3A = tpu.sem_alloc : memref<!tpu.dma_semaphore, #tpu.memory_space<semaphore_mem>>
        %dma_start3A_48 = arith.constant 0 : i32
        %dma_start3A_49 = tpu.memref_slice %arg7[%add3A_47, %dma_start3A_48] : memref<200x56xf32, #tpu.memory_space<vmem>> -> memref<1x56xf32, #tpu.memory_space<vmem>>
        %dma_start3A_50 = tpu.memref_squeeze %dma_start3A_49 : memref<1x56xf32, #tpu.memory_space<vmem>> -> memref<56xf32, #tpu.memory_space<vmem>>
        %dma_start3A_51 = arith.constant 0 : i32
        %dma_start3A_52 = tpu.memref_slice %arg6[%add3A_47, %dma_start3A_51] : memref<200x56xi32, #tpu.memory_space<vmem>> -> memref<1x56xi32, #tpu.memory_space<vmem>>
        %dma_start3A_53 = tpu.memref_squeeze %dma_start3A_52 : memref<1x56xi32, #tpu.memory_space<vmem>> -> memref<56xi32, #tpu.memory_space<vmem>>
        %dma_start3A_54 = arith.constant 0 : i32
        %dma_start3A_55 = tpu.memref_slice %arg8[%dma_start3A_54] : memref<10240xf32, #tpu.memory_space<vmem_shared>> -> memref<10240xf32, #tpu.memory_space<vmem_shared>>
        tpu.enqueue_indirect_dma source(%dma_start3A_50 : memref<56xf32, #tpu.memory_space<vmem>>) target(%dma_start3A_55 : memref<10240xf32, #tpu.memory_space<vmem_shared>>) offsets(%dma_start3A_53 : memref<56xi32, #tpu.memory_space<vmem>>) semaphore(%run_scoped3A : memref<!tpu.dma_semaphore, #tpu.memory_space<semaphore_mem>>) {add = true}
        %dma_wait3A_56 = arith.constant 0 : i32
        %dma_wait3A_57 = tpu.memref_slice %arg7[%add3A_47, %dma_wait3A_56] : memref<200x56xf32, #tpu.memory_space<vmem>> -> memref<1x56xf32, #tpu.memory_space<vmem>>
        %dma_wait3A_58 = tpu.memref_squeeze %dma_wait3A_57 : memref<1x56xf32, #tpu.memory_space<vmem>> -> memref<56xf32, #tpu.memory_space<vmem>>
        %dma_wait3A_59 = arith.constant 0 : i32
        %dma_wait3A_60 = tpu.memref_slice %arg6[%add3A_47, %dma_wait3A_59] : memref<200x56xi32, #tpu.memory_space<vmem>> -> memref<1x56xi32, #tpu.memory_space<vmem>>
        %dma_wait3A_61 = tpu.memref_squeeze %dma_wait3A_60 : memref<1x56xi32, #tpu.memory_space<vmem>> -> memref<56xi32, #tpu.memory_space<vmem>>
        %dma_wait3A_62 = arith.constant 0 : i32
        %dma_wait3A_63 = tpu.memref_slice %arg8[%dma_wait3A_62] : memref<10240xf32, #tpu.memory_space<vmem_shared>> -> memref<10240xf32, #tpu.memory_space<vmem_shared>>
        tpu.wait_indirect_dma semaphore(%run_scoped3A : memref<!tpu.dma_semaphore, #tpu.memory_space<semaphore_mem>>) src(%dma_wait3A_58 : memref<56xf32, #tpu.memory_space<vmem>>) dst(%dma_wait3A_63 : memref<10240xf32, #tpu.memory_space<vmem_shared>>)
        tpu.yield
      }) : () -> ()
    }
    %while3A_33 = arith.constant 1 : i32
    scf.for %while3A_45 = %while3A_31 to %while3A_27 step %while3A_33  : i32 {
      %mul3A_46 = arith.muli %while3A_45, %while3A : i32
      %add3A_47 = arith.addi %while3A_24, %mul3A_46 : i32
      "tpu.region"() ({
        %run_scoped3A = tpu.sem_alloc : memref<!tpu.dma_semaphore, #tpu.memory_space<semaphore_mem>>
        %dma_start3A_48 = arith.constant 0 : i32
        %dma_start3A_49 = tpu.memref_slice %arg7[%add3A_47, %dma_start3A_48] : memref<200x56xf32, #tpu.memory_space<vmem>> -> memref<1x56xf32, #tpu.memory_space<vmem>>
        %dma_start3A_50 = tpu.memref_squeeze %dma_start3A_49 : memref<1x56xf32, #tpu.memory_space<vmem>> -> memref<56xf32, #tpu.memory_space<vmem>>
        %dma_start3A_51 = arith.constant 0 : i32
        %dma_start3A_52 = tpu.memref_slice %arg6[%add3A_47, %dma_start3A_51] : memref<200x56xi32, #tpu.memory_space<vmem>> -> memref<1x56xi32, #tpu.memory_space<vmem>>
        %dma_start3A_53 = tpu.memref_squeeze %dma_start3A_52 : memref<1x56xi32, #tpu.memory_space<vmem>> -> memref<56xi32, #tpu.memory_space<vmem>>
        %dma_start3A_54 = arith.constant 0 : i32
        %dma_start3A_55 = tpu.memref_slice %arg8[%dma_start3A_54] : memref<10240xf32, #tpu.memory_space<vmem_shared>> -> memref<10240xf32, #tpu.memory_space<vmem_shared>>
        tpu.enqueue_indirect_dma source(%dma_start3A_50 : memref<56xf32, #tpu.memory_space<vmem>>) target(%dma_start3A_55 : memref<10240xf32, #tpu.memory_space<vmem_shared>>) offsets(%dma_start3A_53 : memref<56xi32, #tpu.memory_space<vmem>>) semaphore(%run_scoped3A : memref<!tpu.dma_semaphore, #tpu.memory_space<semaphore_mem>>) {add = true}
        %dma_wait3A_56 = arith.constant 0 : i32
        %dma_wait3A_57 = tpu.memref_slice %arg7[%add3A_47, %dma_wait3A_56] : memref<200x56xf32, #tpu.memory_space<vmem>> -> memref<1x56xf32, #tpu.memory_space<vmem>>
        %dma_wait3A_58 = tpu.memref_squeeze %dma_wait3A_57 : memref<1x56xf32, #tpu.memory_space<vmem>> -> memref<56xf32, #tpu.memory_space<vmem>>
        %dma_wait3A_59 = arith.constant 0 : i32
        %dma_wait3A_60 = tpu.memref_slice %arg6[%add3A_47, %dma_wait3A_59] : memref<200x56xi32, #tpu.memory_space<vmem>> -> memref<1x56xi32, #tpu.memory_space<vmem>>
        %dma_wait3A_61 = tpu.memref_squeeze %dma_wait3A_60 : memref<1x56xi32, #tpu.memory_space<vmem>> -> memref<56xi32, #tpu.memory_space<vmem>>
        %dma_wait3A_62 = arith.constant 0 : i32
        %dma_wait3A_63 = tpu.memref_slice %arg8[%dma_wait3A_62] : memref<10240xf32, #tpu.memory_space<vmem_shared>> -> memref<10240xf32, #tpu.memory_space<vmem_shared>>
        tpu.wait_indirect_dma semaphore(%run_scoped3A : memref<!tpu.dma_semaphore, #tpu.memory_space<semaphore_mem>>) src(%dma_wait3A_58 : memref<56xf32, #tpu.memory_space<vmem>>) dst(%dma_wait3A_63 : memref<10240xf32, #tpu.memory_space<vmem_shared>>)
        tpu.yield
      }) : () -> ()
    }
    %barrier3A_34 = arith.constant 0 : index
    tpu.barrier barrier_id(%barrier3A_34)
    %dma_start3A_35 = arith.constant 0 : i32
    %dma_start3A_36 = tpu.memref_slice %arg5[%arg0, %dma_start3A_35] : memref<2x10240xf32, #tpu.memory_space<hbm>> -> memref<1x10240xf32, #tpu.memory_space<hbm>>
    %dma_start3A_37 = tpu.memref_squeeze %dma_start3A_36 : memref<1x10240xf32, #tpu.memory_space<hbm>> -> memref<10240xf32, #tpu.memory_space<hbm>>
    %dma_start3A_38 = tpu.memref_slice %dma_start3A_37[%mul3A_0] : memref<10240xf32, #tpu.memory_space<hbm>> -> memref<640xf32, #tpu.memory_space<hbm>>
    %dma_start3A_39 = tpu.memref_slice %arg8[%mul3A_0] : memref<10240xf32, #tpu.memory_space<vmem_shared>> -> memref<640xf32, #tpu.memory_space<vmem_shared>>
    tpu.enqueue_dma source(%dma_start3A_39 : memref<640xf32, #tpu.memory_space<vmem_shared>>) target(%dma_start3A_38 : memref<640xf32, #tpu.memory_space<hbm>>) target_semaphore(%arg9 : memref<!tpu.dma_semaphore, #tpu.memory_space<semaphore_mem>>)
    %dma_wait3A_40 = arith.constant 0 : i32
    %dma_wait3A_41 = tpu.memref_slice %arg5[%arg0, %dma_wait3A_40] : memref<2x10240xf32, #tpu.memory_space<hbm>> -> memref<1x10240xf32, #tpu.memory_space<hbm>>
    %dma_wait3A_42 = tpu.memref_squeeze %dma_wait3A_41 : memref<1x10240xf32, #tpu.memory_space<hbm>> -> memref<10240xf32, #tpu.memory_space<hbm>>
    %dma_wait3A_43 = tpu.memref_slice %dma_wait3A_42[%mul3A_0] : memref<10240xf32, #tpu.memory_space<hbm>> -> memref<640xf32, #tpu.memory_space<hbm>>
    %dma_wait3A_44 = tpu.memref_slice %arg8[%mul3A_0] : memref<10240xf32, #tpu.memory_space<vmem_shared>> -> memref<640xf32, #tpu.memory_space<vmem_shared>>
    tpu.wait_dma2 semaphore(%arg9 : memref<!tpu.dma_semaphore, #tpu.memory_space<semaphore_mem>>) src(%dma_wait3A_44 : memref<640xf32, #tpu.memory_space<vmem_shared>>) dst(%dma_wait3A_43 : memref<640xf32, #tpu.memory_space<hbm>>)
    return
  }
}

</mosaic_0001>

<sc_bundles>
// kernel: _sc_degree.3.cloned.1.call-start
scs
__scs_entry_jumppad:
0x0: {  	(pc) =	sbr.rel $0x88, $3  }
0x1: {  	(tag) =	ssettag $0x0;
	lr =	simm.s32 $0x1  }
0x2: {  	[smem:$0x3F9E] =	sst lr;
	_ =	strace $0xD0000000  }
0x3: {  	_ = 	snop  }
0x4: {  	_ = 	snop  }
0x5: {  	_ = 	snop  }
0x6: {  	_ = 	snop  }
0x7: {  	_ = 	snop  }
__scs_overlays_trampoline_lowered:
0x8: {  	[smem:$0x3FAD] =	sst s0  }
0x9: {  	[smem:$0x3FAE] =	sst s1  }
0xa: {  	[smem:$0x3FAF] =	sst s2  }
0xb: {  	[smem:$0x3FB0] =	sst s3  }
0xc: {  	[smem:$0x3FB1] =	sst s4  }
0xd: {  	[smem:$0x3FB2] =	sst s5  }
0xe: {  	[smem:$0x3FB3] =	sst s6  }
0xf: {  	[smem:$0x3FB4] =	sst s7  }
0x10: {  	[smem:$0x3FB5] =	sst s8  }
0x11: {  	[smem:$0x3FB6] =	sst s9;
	s0 =	simm.s32 @!p0 $0x0  }
0x12: {  	s1 =	sld [smem:$0x3F9C];
	s0 =	simm.s32 @p0 $0x1  }
0x13: {  	[smem:$0x3FB7] =	sst s0;
	s0 =	simm.s32 @!p1 $0x0  }
0x14: {  	s2 =	sld [smem:$0x3F9B];
	s0 =	simm.s32 @p1 $0x1  }
0x15: {  	[smem:$0x3FB8] =	sst s0;
	s0 =	simm.s32 @!p2 $0x0  }
0x16: {  	s3 =	sld [smem:$0x3FDB];
	s0 =	simm.s32 @p2 $0x1  }
0x17: {  	s4 =	simm.s32 $0x1BF5;
	[smem:$0x3FBA] =	sst s0  }
0x18: {  	s0 =	sld [smem:$0x3F9D];
	_ =	swait.ge [sflag:s4], $0x0  }
0x19: {  	s7 =	sld [smem:$0x3F9E]  }
0x1a: {  	s8 =	sadd.s32 $0xFFFFE003, lr  }
0x1b: {  	s9 =	sadd.s32 $0xFFFFFEF7, lr;
	s5 =	simm.s32 $0xFFFFFFFF;
	p2 =	slt.u32 s8, $0xFFFFF086  }
0x1c: {  	p1 =	slt.u32 s9, $0xF7A;
	s5 =	simm.s32 @!p2 $0x0  }
0x1d: {  	s5 =	simm.s32 @p1 $0x1;
	p0 =	seq.s32 s7, s2  }
0x1e: {  	s7 =	smul.u32 @!p0 $0xF7A, s2;
	p2 =	seq.s32 @!p0 s5, $0x0  }
0x1f: {  	s9 =	smul.u32 $0xF7A, s1;
	s8 =	simm.s32 @!p0 $0x1BF5;
	p2 =	por !p2, p0  }
0x20: {  	[sflag:s8] =	ssyncset.s32 @!p0 $0xFFFFF086;
	s6 =	sadd.s32 @!p0 s3, s7;
	s7 =	simm.s32 @!p0 $0x108  }
0x21: {  	s3 =	sadd.s32 s3, s9;
	s6 =	sadd.s32 @!p0 $0x88, s6;
	s7 =	simm.s32 @p2 $0x1082  }
0x22: {  	[simem:s7], [sflag:s8] =	dma.local @!p0 [hbm:s6], $0xF7A  }
0x23: {  	s9 =	sor.u32 $0xD0000000, s2;
	s6 =	simm.s32 $0x108;
	_ =	swait.ge @!p0 [sflag:s8], $0x0  }
0x24: {  	s3 =	sadd.s32 $0x88, s3;
	s6 =	simm.s32 @!p1 $0x1082;
	[sflag:s4] =	ssyncset.s32 $0xFFFFF086  }
0x25: {  	[simem:s6], [sflag:s4] =	dma.local [hbm:s3], $0xF7A  }
0x26: {  	[smem:$0x3F9E] =	sst s1;
	(tag) =	ssettag s2;
	_ =	strace s9  }
0x27: {  	s1 =	sld [smem:$0x3FAE]  }
0x28: {  	s2 =	sld [smem:$0x3FAF]  }
0x29: {  	s4 =	sld [smem:$0x3FB1]  }
0x2a: {  	p0 =	seq.s32 s5, $0x0;
	s5 =	sld [smem:$0x3FB2]  }
0x2b: {  	s6 =	sld [smem:$0x3FB3]  }
0x2c: {  	s7 =	sld [smem:$0x3FB4]  }
0x2d: {  	s3 =	simm.s32 $0x108;
	s8 =	sld [smem:$0x3FB5]  }
0x2e: {  	s3 =	simm.s32 @!p0 $0x1082;
	s9 =	sld [smem:$0x3FB6]  }
0x2f: {  	lr =	sadd.s32 s0, s3;
	s0 =	sld [smem:$0x3FAD]  }
0x30: {  	s3 =	sld [smem:$0x3FB0]  }
0x31: {  	[smem:$0x3FB9] =	sst s10  }
0x32: {  	s10 =	sld [smem:$0x3FB7];
	_ =	sdelay $0x3  }
0x33: {  	p0 =	seq.s32 s10, $0x1;
	s10 =	sld [smem:$0x3FB9];
	_ =	sdelay $0x3  }
0x34: {  	[smem:$0x3FB9] =	sst s10  }
0x35: {  	s10 =	sld [smem:$0x3FB8];
	_ =	sdelay $0x3  }
0x36: {  	p1 =	seq.s32 s10, $0x1;
	s10 =	sld [smem:$0x3FB9];
	_ =	sdelay $0x3  }
0x37: {  	[smem:$0x3FB9] =	sst s10  }
0x38: {  	s10 =	sld [smem:$0x3FBA]  }
0x39: {  	_ = 	snop;
	(pc) =	sbr.ind lr, $3  }
0x3a: {  	_ = 	snop  }
0x3b: {  	_ = 	snop  }
0x3c: {  	p2 =	seq.s32 s10, $0x1;
	s10 =	sld [smem:$0x3FB9]  }
0x3d: {  	_ =	shalt  }
0x3e: {  	_ =	shalt  }
0x3f: {  	_ =	shalt  }
0x40: {  	_ =	shalt  }
0x41: {  	_ =	shalt  }
0x42: {  	_ =	shalt  }
0x43: {  	_ =	shalt  }
0x44: {  	_ =	shalt  }
0x45: {  	_ =	shalt  }
0x46: {  	_ =	shalt  }
0x47: {  	_ =	shalt  }
0x48: {  	_ =	shalt  }
0x49: {  	_ =	shalt  }
0x4a: {  	_ =	shalt  }
0x4b: {  	_ =	shalt  }
0x4c: {  	_ =	shalt  }
0x4d: {  	_ =	shalt  }
0x4e: {  	_ =	shalt  }
0x4f: {  	_ =	shalt  }
0x50: {  	_ =	shalt  }
0x51: {  	_ =	shalt  }
0x52: {  	_ =	shalt  }
0x53: {  	_ =	shalt  }
0x54: {  	_ =	shalt  }
0x55: {  	_ =	shalt  }
0x56: {  	_ =	shalt  }
0x57: {  	_ =	shalt  }
0x58: {  	_ =	shalt  }
0x59: {  	_ =	shalt  }
0x5a: {  	_ =	shalt  }
0x5b: {  	_ =	shalt  }
0x5c: {  	_ =	shalt  }
0x5d: {  	_ =	shalt  }
0x5e: {  	_ =	shalt  }
0x5f: {  	_ =	shalt  }
0x60: {  	_ =	shalt  }
0x61: {  	_ =	shalt  }
0x62: {  	_ =	shalt  }
0x63: {  	_ =	shalt  }
0x64: {  	_ =	shalt  }
0x65: {  	_ =	shalt  }
0x66: {  	_ =	shalt  }
0x67: {  	_ =	shalt  }
0x68: {  	_ =	shalt  }
0x69: {  	_ =	shalt  }
0x6a: {  	_ =	shalt  }
0x6b: {  	_ =	shalt  }
0x6c: {  	_ =	shalt  }
0x6d: {  	_ =	shalt  }
0x6e: {  	_ =	shalt  }
0x6f: {  	_ =	shalt  }
0x70: {  	_ =	shalt  }
0x71: {  	_ =	shalt  }
0x72: {  	_ =	shalt  }
0x73: {  	_ =	shalt  }
0x74: {  	_ =	shalt  }
0x75: {  	_ =	shalt  }
0x76: {  	_ =	shalt  }
0x77: {  	_ =	shalt  }
0x78: {  	_ =	shalt  }
0x79: {  	_ =	shalt  }
0x7a: {  	_ =	shalt  }
0x7b: {  	_ =	shalt  }
0x7c: {  	_ =	shalt  }
0x7d: {  	_ =	shalt  }
0x7e: {  	_ =	shalt  }
0x7f: {  	_ =	shalt  }
0x80: {  	_ =	shalt  }
0x81: {  	_ =	shalt  }
0x82: {  	_ =	shalt  }
0x83: {  	_ =	shalt  }
0x84: {  	_ =	shalt  }
0x85: {  	_ =	shalt  }
0x86: {  	_ =	shalt  }
0x87: {  	_ =	shalt  }
.Lfunc_end0:
.L_simem_size_0:
called_computation_lowered:
.L_overlay_start_0:
0x88: {  	s2 =	sld [smem:$0x3FD9]  }
0x89: {  	s3 =	sld [smem:$0x3FFE];
	_ =	sdelay $0x1  }
0x8a: {  	s1 =	srdreg.scid  }
0x8b: {  	s0 =	sand.u32 $0x1, s1  }
0x8c: {  	s17 =	sshll.u32 s0, $0xA;
	s2 =	sadd.s32 s3, s2  }
0x8d: {  	s2 =	sadd.s32 s2, s17  }
0x8e: {  	[smem:$0x3FC5] =	sst s2  }
0x8f: {  	_ = 	snop  }
0x90: {  	s2 =	sld [smem:$0x3FC7]  }
0x91: {  	s18 =	sld [smem:$0x3FD0];
	(tm) =	ssettm $0x1  }
0x92: {  	s4 =	sld [smem:$0x3FFB];
	_ =	sdelay $0x3  }
0x93: {  	_ =	strace s4  }
0x94: {  	s4 =	sld [smem:$0x3FFC];
	_ =	sdelay $0x3  }
0x95: {  	_ =	strace s4  }
0x96: {  	s4 =	sld [smem:$0x3FFD];
	_ =	sdelay $0x3  }
0x97: {  	_ =	strace s4  }
0x98: {  	_ =	strace $0x8FFFFFFF  }
0x99: {  	s19 =	sld [smem:$0x3FDB];
	_ =	sdelay $0x1  }
0x9a: {  	s5 =	simm.s32 $_scs_section_size  }
0x9b: {  	s6 =	simm.s32 $_size__tile_overlayer_lowered;
	s7 =	simm.s32 $_tile_overlayer_lowered  }
0x9c: {  	s22 =	simm.s32 $0x1BFF;
	s21 =	sshll.u32 s7, $0x1;
	s4 =	sadd.s32 s5, s19  }
0x9d: {  	s8 =	simm.s32 $0x0;
	s20 =	sshll.u32 s6, $0x1;
	s6 =	sadd.s32 s21, s4  }
0x9e: {  	[timem:s8], [sflag:s22] =	dma.local [hbm:s6], s20  }
0x9f: {  	_ =	swait.ge [sflag:s22], s20  }
0xa0: {  	s5 =	ssub.s32 $0x0, s20;
	[sflag:s22] =	ssyncset.done $0x0  }
0xa1: {  	[sflag:s22] =	ssyncadd.s32 s5;
	_ =	sdelay $0x1  }
0xa2: {  	s23 =	simm.s32 $0x1B8B  }
0xa3: {  	_ =	swait.ge [sflag:s23], $0x1  }
0xa4: {  	[sflag:s23] =	ssyncset.done $0x0  }
0xa5: {  	s25 =	simm.s32 $0x1B8E;
	s24 =	sld [smem:$0x3FFE];
	[sflag:s23] =	ssyncadd.s32 $0xFFFFFFFF  }
0xa6: {  	s26 =	simm.s32 $execute0_lowered;
	[smem:$0x3FD2] =	sst s25  }
0xa7: {  	s6 =	sshll.u32 s26, $0x1;
	_ =	strace $0x80000046;
	[dreg:$0x1] =	wrdreg $0xFFFFFFFF  }
0xa8: {  	s28 =	simm.s32 $_size_execute0_lowered;
	s4 =	sadd.s32 s4, s6;
	[dreg:$0x0] =	wrdreg $0x0  }
0xa9: {  	s6 =	sshll.u32 s28, $0x1;
	[dreg:$0x2] =	wrdreg s4  }
0xaa: {  	[dreg:$0x3] =	wrdreg s6  }
0xab: {  	[dreg:$0x4] =	wrdreg $0xC0  }
0xac: {  	_ =	task [dreg:s8], $0x5FFFF  }
0xad: {  	[dreg:$0x1] =	wrdreg $0xFFFFFFFF  }
0xae: {  	[dreg:$0x0] =	wrdreg $0x60  }
0xaf: {  	[dreg:$0x2] =	wrdreg s24  }
0xb0: {  	[dreg:$0x3] =	wrdreg s2  }
0xb1: {  	[dreg:$0x4] =	wrdreg s18  }
0xb2: {  	[dreg:$0x5] =	wrdreg $0xC8000  }
0xb3: {  	[dreg:$0x6] =	wrdreg $0x9  }
0xb4: {  	_ =	task.clear_ibuf [dreg:s8], $0x7FFFF;
	_ =	strace $0x90000046  }
0xb5: {  	s29 =	simm.s32 $0x9;
	_ =	strace $0x80000048  }
0xb6: {  	_ =	swait.ge [sflag:s29], $0x1  }
0xb7: {  	[sflag:s29] =	ssyncadd.s32 $0xFFFFFFFF  }
0xb8: {  	_ =	strace $0x90000048  }
0xb9: {  	_ =	sfence  }
0xba: {  	s30 =	sld [smem:$0x0];
	_ =	sdelay $0x2  }
0xbb: {  	s31 =	sshll.u32 s1, $0xD;
	s1 =	sshrl.u32 s1, $0x2  }
0xbc: {  	s3 =	sand.u32 $0x4000, s31;
	s1 =	sadd.s32 s1, s30  }
0xbd: {  	s0 =	sor.u32 s3, s0;
	s1 =	sshll.u32 s1, $0x11  }
0xbe: {  	s0 =	sor.u32 s1, s0  }
0xbf: {  	s0 =	sadd.s32 $0x8F2B, s0  }
0xc0: {  	[sflag:s0] =	ssyncadd.remote.s32 $0x1  }
0xc1: {  	_ =	sfence.sel $0xFFFF  }
0xc2: {  	[dreg:$0x0] =	wrdreg $0xFFFFFFFF;
	(pc) =	sbr.abs _section_cstart, $3  }
0xc3: {  	[dreg:$0x1] =	wrdreg $0xFFFFFFFF  }
0xc4: {  	_ =	task.clear_ibuf [dreg:s8], $0x2FFFF;
	_ =	strace $0x9FFFFFFF  }
0xc5: {  	(tm) =	ssettm $0x7FFFFFFF  }
tec
execute0_lowered:
.L_overlay_start_1:
0x0: {  	(tag) =	ssettag $0x1  }
0x1: {  	s5 =	rddreg [dreg:$0x0]  }
0x2: {  	s6 =	rddreg [dreg:$0x1]  }
0x3: {  	s11 =	rddreg [dreg:$0x2]  }
0x4: {  	s1 =	rddreg [dreg:$0x3]  }
0x5: {  	s0 =	rddreg [dreg:$0x4];
	s3 =	simm.s32 $0x0  }
0x6: {  	s2 =	srdreg.scid;
	s4 =	simm.s32 $0xC8;
	s19 =	simm.s32 $0x0  }
0x7: {  	[smem:$0x7FF] =	sst s3;
	s12 =	sand.u32 $0x1, s2;
	s2 =	stileid.u32  }
0x8: {  	s13 =	sadd.s32 $0x600, s5;
	s14 =	sadd.s32 $0x16E00, s5;
	p0 =	seq.s32 s12, $0x0  }
0x9: {  	s7 =	ssub.s32 $0x2, s12;
	s8 =	smul.u32 $0x280, s2;
	_ =	strace $0x80000047  }
0xa: {  	s29 =	sshll.u32 s2, $0x6;
	s31 =	sshll.u32 s12, $0x4;
	s18 =	smul.u32 $0xA0, s2  }
0xb: {  	s4 =	simm.s32 @!p0 $0xA0;
	s9 =	sshrl.u32 s7, $0x1;
	s17 =	sadd.s32 s11, s31  }
0xc: {  	p0 =	sne.s32 s12, $0x0;
	s10 =	smul.u32 s2, s4;
	s28 =	sshrl.u32 s8, $0x3  }
0xd: {  	s15 =	ssub.s32 s7, s9;
	s16 =	sadd.s32 s8, s1;
	s5 =	sadd.s32 s6, s28  }
0xe: {  	s6 =	sor.u32 $0x1C01, s29;
	s11 =	smax.u32 s15, $0x1;
	s12 =	sshrl.u32 s16, $0x3  }
0xf: {  	s15 =	simm.s32 $0x2;
	s16 =	sadd.s32 s18, s17;
	s10 =	sshll.u32 s10, $0x4  }
0x10: {  	s17 =	simm.s32 $0x20;
	s18 =	simm.s32 $0x10;
	s30 =	sadd.s32 $0xC800, s10  }
0x11: {  	s9 =	sadd.s32 s13, s10;
	s10 =	sadd.s32 s14, s10;
	s7 =	sadd.s32 s13, s30  }
0x12: {  	s8 =	sadd.s32 s14, s30;
	s13 =	simm.s32 $0x1;
	s14 =	simm.s32 $0x38  }
.LBB2_1:
0x13: {  	[spmem:s12], [sflag:s6] =	dma.local [hbm:s5], $0x50  }
0x14: {  	_ =	swait.ge [sflag:s13], $0x50  }
0x15: {  	[sflag:s13] =	ssyncset.done $0x0  }
0x16: {  	s20 =	simm.s32 @p0 $0x0;
	s21 =	simm.s32 @p0 $0x2;
	[sflag:s13] =	ssyncadd.s32 $0xFFFFFFB0  }
0x17: {  	[tilespmem:s20], [sflag:$0x2] =	stream.linear.gather @p0 [hbm4b:s7+s20], $0x5000, $0x38;
	[tilespmem:$0xCA80] =	vst v63  }
0x18: {  	_ =	swait.ge @p0 [sflag:s21], $0x5000  }
0x19: {  	[sflag:s21] =	ssyncset.done @p0 $0x0  }
0x1a: {  	s22 =	simm.s32 @p0 $0x6400;
	[sflag:s21] =	ssyncadd.s32 @p0 $0xFFFFB000  }
0x1b: {  	[tilespmem:s22], [sflag:$0x2] =	stream.linear.gather @p0 [hbm4b:s8+s20], $0x5000, $0x38;
	[tilespmem:$0xCA80] =	vst v63  }
0x1c: {  	_ =	swait.ge @p0 [sflag:s21], $0x5000  }
0x1d: {  	[sflag:s21] =	ssyncset.done @p0 $0x0  }
0x1e: {  	s20 =	simm.s32 @!p0 $0x0;
	[sflag:s21] =	ssyncadd.s32 @p0 $0xFFFFB000;
	s21 =	simm.s32 @!p0 $0x2  }
0x1f: {  	[tilespmem:s20], [sflag:$0x2] =	stream.linear.gather @!p0 [hbm4b:s9+s20], $0x6400, $0x38;
	[tilespmem:$0xCA80] =	vst v63  }
0x20: {  	_ =	swait.ge @!p0 [sflag:s21], $0x6400  }
0x21: {  	[sflag:s21] =	ssyncset.done @!p0 $0x0  }
0x22: {  	s22 =	simm.s32 @!p0 $0x6400;
	[sflag:s21] =	ssyncadd.s32 @!p0 $0xFFFF9C00  }
0x23: {  	[tilespmem:s22], [sflag:$0x2] =	stream.linear.gather @!p0 [hbm4b:s10+s20], $0x6400, $0x38;
	[tilespmem:$0xCA80] =	vst v63  }
0x24: {  	_ =	swait.ge @!p0 [sflag:s21], $0x6400  }
0x25: {  	p1 =	sne.s32 s4, $0x1;
	[sflag:s21] =	ssyncset.done @!p0 $0x0  }
.Ltmp0:
0x26: {  	[sflag:s21] =	ssyncadd.s32 @!p0 $0xFFFF9C00;
	(pc) =	sbr.rel @!p1 .LBB2_3-.Ltmp0, $4  }
0x27: {  	s20 =	simm.s32 $0x6400;
	[bflag:$0x0] =	sbarrier.arrive $0xFFFF  }
0x28: {  	[spmem:s1] =	stream.indirect.scatter.add.f32 [tilespmem:s20], [sflag:$0x2], $0x1, s3, s14, $0xb8;
	[tilespmem:$0xCA80] =	vst v63  }
0x29: {  	_ =	swait.ge [sflag:s15], $0x38  }
0x2a: {  	s22 =	simm.s32 $0x0;
	s21 =	sadd.s32 $0xFFFFFFFF, s4;
	[sflag:s15] =	ssyncset.done $0x0  }
.LBB2_2:
0x2b: {  	[sflag:s15] =	ssyncadd.s32 $0xFFFFFFC8  }
0x2c: {  	s20 =	sadd.s32 $0x80, s20;
	s22 =	sadd.s32 $0x80, s22;
	p1 =	sne.s32 s21, $0x1  }
.Ltmp1:
0x2d: {  	s21 =	sadd.s32 $0xFFFFFFFF, s21;
	(pc) =	sbr.rel @p1 .LBB2_2-.Ltmp1, $4  }
0x2e: {  	_ = 	snop  }
0x2f: {  	[spmem:s1] =	stream.indirect.scatter.add.f32 [tilespmem:s20], [sflag:$0x2], $0x1, s22, s14, $0xb8;
	[tilespmem:$0xCA80] =	vst v63  }
0x30: {  	_ =	swait.ge [sflag:s15], $0x38  }
0x31: {  	[sflag:s15] =	ssyncset.done $0x0  }
.LBB2_3:
0x32: {  	s19 =	sadd.s32 $0x1, s19  }
0x33: {  	[sflag:s15] =	ssyncadd.s32 $0xFFFFFFC8;
	p1 =	sne.s32 s19, s11  }
.Ltmp2:
0x34: {  	[bflag:$0x0] =	sbarrier.arrive $0xFFFF;
	(pc) =	sbr.rel @p1 .LBB2_1-.Ltmp2, $4  }
0x35: {  	[hbm:s16@s17], [sflag:s6] =	dma.strided [spmem:s12@s18], $0x50, s13, $0x10   }
0x36: {  	_ =	swait.ge [sflag:s13], $0x50  }
0x37: {  	[sflag:s13] =	ssyncset.done $0x0  }
0x38: {  	[sflag:s13] =	ssyncadd.s32 $0xFFFFFFB0  }
0x39: {  	_ =	sfence.sel $0x180000  }
0x3a: {  	[bflag:$0x0] =	sbarrier.arrive $0xFFFF  }
0x3b: {  	p0 =	sne.s32 s2, $0x0;
	_ =	strace $0x90000047  }
0x3c: {  	s0 =	sadd.s32 @!p0 $0x100000, s0;
	[bflag:$0x2] =	sbarrier.arrive $0xFFFF  }
0x3d: {  	[sflag:s0] =	ssyncadd.tile.s32 @!p0 $0x1;
	_ =	shalt  }
.Lfunc_end2:
_tile_overlayer_lowered:
.L_overlay_start_2:
0x3e: {  	(tag) =	ssettag $0x2  }
0x3f: {  	s0 =	rddreg [dreg:$0x0];
	s2 =	stileid.u32  }
0x40: {  	s1 =	rddreg [dreg:$0x1];
	p0 =	sne.s32 s2, $0x0  }
0x41: {  	s3 =	rddreg [dreg:$0x2];
	[bflag:$0x3] =	sbarrier.arrive $0xFFFF;
	s2 =	simm.s32 @!p0 $0x1C02  }
0x42: {  	[timem:s3], [sflag:s2] =	dma.local @!p0 [hbm:s0], s1  }
0x43: {  	s0 =	simm.s32 @!p0 $0x2  }
0x44: {  	_ =	swait.ge @!p0 [sflag:s0], s1  }
0x45: {  	s1 =	ssub.s32 @!p0 $0x0, s1;
	[sflag:s0] =	ssyncset.done @!p0 $0x0  }
0x46: {  	[sflag:s0] =	ssyncadd.s32 @!p0 s1  }
0x47: {  	[bflag:$0x3] =	sbarrier.arrive $0xFFFF  }
0x48: {  	_ =	shalt  }

</sc_bundles>
